<compile_context>
chip_gen: v7x
topology: tpu7x:2x2x1
jax: 0.10.2.dev20260603
libtpu: 0.0.44.dev20260713+nightly
codegen_flags: <defaults>
</compile_context>

<pallas_src>
import functools

import jax
import jax.numpy as jnp
from jax import lax
from jax.experimental import pallas as pl
from jax.experimental.pallas import tpu as pltpu
from jax.experimental.pallas import tpu_sc as plsc

_EPS = 1e-5

_B = 16384
_E = 64
_F = 128
_H = 256
_O = 128


_NC = 2
_NS = 16
_NW = _NC * _NS
_CHUNK = 128
_CPW = _B // (_NW * _CHUNK)
_V = 1000000
_RC = 32768
_RQ = _RC // 4
_NBLK = (_V + _RC - 1) // _RC
_QV = _NBLK * _RQ


def _relayout_tc(tableT, eye):

  def body(x_ref, eye_ref, out_ref):
    xb = x_ref[...].astype(jnp.bfloat16)
    xt = lax.dot_general(
        xb, eye_ref[...], (((0,), (0,)), ((), ())),
        preferred_element_type=jnp.float32)
    bi = lax.bitcast_convert_type(xt, jnp.int32)
    out_ref[:, 0:_E] = (
        lax.shift_right_logical(bi[0:_RQ, :], 16) | bi[_RQ:2 * _RQ, :])
    out_ref[:, _E:2 * _E] = (
        lax.shift_right_logical(bi[2 * _RQ:3 * _RQ, :], 16)
        | bi[3 * _RQ:4 * _RQ, :])

  return pl.pallas_call(
      body,
      grid=(_NBLK,),
      in_specs=[
          pl.BlockSpec((_E, _RC), lambda i: (0, i)),
          pl.BlockSpec((_E, _E), lambda i: (0, 0)),
      ],
      out_specs=pl.BlockSpec((_RQ, 2 * _E), lambda i: (i, 0)),
      out_shape=jax.ShapeDtypeStruct((_QV, 2 * _E), jnp.int32),
      compiler_params=pltpu.CompilerParams(
          dimension_semantics=("parallel",)),
  )(tableT, eye)


def _gather_sc(idx2d, paired):
  mesh = plsc.VectorSubcoreMesh(core_axis_name="c", subcore_axis_name="s")

  @functools.partial(
      pl.kernel,
      mesh=mesh,
      out_type=jax.ShapeDtypeStruct((_B // _CHUNK, _CHUNK, 2 * _E),
                                    jnp.int32),
      scratch_types=[
          pltpu.VMEM((_CPW, _CHUNK), jnp.int32),
          pltpu.VMEM((_CPW, _CHUNK, 2 * _E), jnp.int32),
          pltpu.SemaphoreType.DMA,
      ],
  )
  def gk(idx_hbm, table_hbm, out_hbm, idx_v, rows_v, sem):
    wid = lax.axis_index("s") * _NC + lax.axis_index("c")
    base = wid * _CPW
    pltpu.sync_copy(idx_hbm.at[pl.ds(base, _CPW)], idx_v)
    copies = [
        pltpu.async_copy(table_hbm.at[idx_v.at[j]], rows_v.at[j], sem)
        for j in range(_CPW)
    ]
    for c in copies:
      c.wait()
    pltpu.sync_copy(rows_v, out_hbm.at[pl.ds(base, _CPW)])

  return gk(idx2d, paired)



_T = 2048


def _k1_body(feat, w1, b1, h_ref, st_ref):
  i = pl.program_id(0)
  h = jnp.dot(feat[...], w1[...], preferred_element_type=jnp.float32) + b1[...]
  h_ref[...] = h.astype(jnp.bfloat16)
  st = jnp.concatenate(
      [jnp.sum(h, axis=0, keepdims=True),
       jnp.sum(h * h, axis=0, keepdims=True)], axis=0)

  @pl.when(i == 0)
  def _():
    st_ref[...] = st

  @pl.when(i != 0)
  def _():
    st_ref[...] += st


def _k2_body(emb2, par, h, w2a, w2b, b2, st1, g1, be1, z_ref, st_ref):
  i = pl.program_id(0)
  inv_b = 1.0 / _B
  m1 = st1[0:1, :] * inv_b
  v1 = st1[1:2, :] * inv_b - m1 * m1
  sc1 = g1[...] * lax.rsqrt(v1 + _EPS)
  sh1 = be1[...] - m1 * sc1
  hbn = h[...].astype(jnp.float32) * sc1 + sh1
  w = emb2[...]
  q = par[...]
  half = jnp.where(q < 1.5, w[:, 0:_E], w[:, _E:2 * _E])
  vlo = lax.bitcast_convert_type(jnp.left_shift(half, 16), jnp.float32)
  vhi = lax.bitcast_convert_type(half & jnp.int32(-65536), jnp.float32)
  p = q - 2.0 * jnp.floor(q * 0.5)
  emb = jnp.where(p > 0.5, vhi, vlo)
  z = (jnp.dot(emb, w2a[...], preferred_element_type=jnp.float32)
       + jnp.dot(hbn, w2b[...], preferred_element_type=jnp.float32)
       + b2[...])
  z_ref[...] = z.astype(jnp.bfloat16)
  st = jnp.concatenate(
      [jnp.sum(z, axis=0, keepdims=True),
       jnp.sum(z * z, axis=0, keepdims=True)], axis=0)

  @pl.when(i == 0)
  def _():
    st_ref[...] = st

  @pl.when(i != 0)
  def _():
    st_ref[...] += st


def _k3_body(z2, st2, g2, be2, w3, out_ref):
  inv_b = 1.0 / _B
  m2 = st2[0:1, :] * inv_b
  v2 = st2[1:2, :] * inv_b - m2 * m2
  sc2 = g2[...] * lax.rsqrt(v2 + _EPS)
  sh2 = be2[...] - m2 * sc2
  z = z2[...].astype(jnp.float32) * sc2 + sh2
  g = 0.5 * z * (1.0 + lax.erf(z * 0.7071067811865476))
  out_ref[...] = jnp.dot(g, w3[...], preferred_element_type=jnp.float32)


def kernel(entity_ids, features, table, W1, b1, g1, be1, W2, b2, g2, be2, W3):
  idx = entity_ids.astype(jnp.int32)
  paired = _relayout_tc(table.T, jnp.eye(_E, dtype=jnp.bfloat16))
  idxq = ((idx // _RC) * _RQ + (idx % _RQ)).reshape(_B // _CHUNK, _CHUNK)
  emb2 = _gather_sc(idxq, paired).reshape(_B, 2 * _E)
  par = ((idx // _RQ) % 4).astype(jnp.float32).reshape(_B, 1)

  b1r = b1.reshape(1, _H)
  g1r = g1.reshape(1, _H)
  be1r = be1.reshape(1, _H)
  b2r = b2.reshape(1, _H)
  g2r = g2.reshape(1, _H)
  be2r = be2.reshape(1, _H)
  w2a = W2[:_E]
  w2b = W2[_E:]

  grid = (_B // _T,)

  h, st1 = pl.pallas_call(
      _k1_body,
      grid=grid,
      in_specs=[
          pl.BlockSpec((_T, _F), lambda i: (i, 0)),
          pl.BlockSpec((_F, _H), lambda i: (0, 0)),
          pl.BlockSpec((1, _H), lambda i: (0, 0)),
      ],
      out_specs=[
          pl.BlockSpec((_T, _H), lambda i: (i, 0)),
          pl.BlockSpec((2, _H), lambda i: (0, 0)),
      ],
      out_shape=[
          jax.ShapeDtypeStruct((_B, _H), jnp.bfloat16),
          jax.ShapeDtypeStruct((2, _H), jnp.float32),
      ],
  )(features, W1, b1r)

  z2, st2 = pl.pallas_call(
      _k2_body,
      grid=grid,
      in_specs=[
          pl.BlockSpec((_T, 2 * _E), lambda i: (i, 0)),
          pl.BlockSpec((_T, 1), lambda i: (i, 0)),
          pl.BlockSpec((_T, _H), lambda i: (i, 0)),
          pl.BlockSpec((_E, _H), lambda i: (0, 0)),
          pl.BlockSpec((_H, _H), lambda i: (0, 0)),
          pl.BlockSpec((1, _H), lambda i: (0, 0)),
          pl.BlockSpec((2, _H), lambda i: (0, 0)),
          pl.BlockSpec((1, _H), lambda i: (0, 0)),
          pl.BlockSpec((1, _H), lambda i: (0, 0)),
      ],
      out_specs=[
          pl.BlockSpec((_T, _H), lambda i: (i, 0)),
          pl.BlockSpec((2, _H), lambda i: (0, 0)),
      ],
      out_shape=[
          jax.ShapeDtypeStruct((_B, _H), jnp.bfloat16),
          jax.ShapeDtypeStruct((2, _H), jnp.float32),
      ],
  )(emb2, par, h, w2a, w2b, b2r, st1, g1r, be1r)

  out = pl.pallas_call(
      _k3_body,
      grid=grid,
      in_specs=[
          pl.BlockSpec((_T, _H), lambda i: (i, 0)),
          pl.BlockSpec((2, _H), lambda i: (0, 0)),
          pl.BlockSpec((1, _H), lambda i: (0, 0)),
          pl.BlockSpec((1, _H), lambda i: (0, 0)),
          pl.BlockSpec((_H, _O), lambda i: (0, 0)),
      ],
      out_specs=pl.BlockSpec((_T, _O), lambda i: (i, 0)),
      out_shape=jax.ShapeDtypeStruct((_B, _O), jnp.float32),
  )(z2, st2, g2r, be2r, W3)

  return out

# --- scband reference (transcript-rebuilt; emitter-appended) ---
"""Pipeline reference for scband-entity-model-87814901334258 (READ-ONLY COPY).

The authoritative reference and input builder live on the scoring server;
editing this copy changes nothing except your own understanding.
"""

import jax, jax.numpy as jnp
import numpy as np

EPS = 1e-5

def _batchnorm(x, gamma, beta):
    m = jnp.mean(x, axis=0)
    v = jnp.var(x, axis=0)
    return (x - m) / jnp.sqrt(v + EPS) * gamma + beta

def setup_inputs(seed: int = 0) -> dict:
    key = jax.random.key(seed)
    ks = jax.random.split(key, 12)
    B = 16384
    V = 1000000
    E = 64
    F = 128
    H = 256
    O = 128
    entity_ids = jax.random.randint(ks[0], (B,), 0, V, dtype=jnp.int64)
    features = jax.random.normal(ks[1], (B, F), dtype=jnp.float32)
    table = jax.random.normal(ks[2], (V, E), dtype=jnp.float32)
    W1 = jax.random.normal(ks[3], (F, H), dtype=jnp.float32) * (1.0 / np.sqrt(F))
    b1 = jnp.zeros((H,), dtype=jnp.float32)
    g1 = jnp.ones((H,), dtype=jnp.float32)
    be1 = jnp.zeros((H,), dtype=jnp.float32)
    W2 = jax.random.normal(ks[4], (E + H, H), dtype=jnp.float32) * (1.0 / np.sqrt(E + H))
    b2 = jnp.zeros((H,), dtype=jnp.float32)
    g2 = jnp.ones((H,), dtype=jnp.float32)
    be2 = jnp.zeros((H,), dtype=jnp.float32)
    W3 = jax.random.normal(ks[5], (H, O), dtype=jnp.float32) * (1.0 / np.sqrt(H))
    return {"entity_ids": entity_ids, "features": features, "table": table,
            "W1": W1, "b1": b1, "g1": g1, "be1": be1,
            "W2": W2, "b2": b2, "g2": g2, "be2": be2, "W3": W3}

def reference(entity_ids, features, table, W1, b1, g1, be1, W2, b2, g2, be2, W3):
    B = entity_ids.shape[0]
    emb = jnp.take(table, entity_ids, axis=0).reshape(B, -1)
    h = features @ W1 + b1
    h = _batchnorm(h, g1, be1)
    z = jnp.concatenate((emb, h), axis=1)
    z = z @ W2 + b2
    z = _batchnorm(z, g2, be2)
    z = jax.nn.gelu(z, approximate=False)
    return z @ W3

if __name__ == "__main__":
    import jax
    _d = setup_inputs()
    print(jax.jit(kernel)(*tuple(_d.values())))

</pallas_src>

<mosaic_0001>
#map = affine_map<(d0, d1) -> (0, 0)>
#map1 = affine_map<(d0, d1) -> (0, 0, 0)>
module attributes {stable_mosaic.version = 14 : i64} {
  func.func @gk(%arg0: i32, %arg1: i32, %arg2: memref<128x128xi32, #tpu.memory_space<hbm>>, %arg3: memref<253952x128xi32, #tpu.memory_space<hbm>>, %arg4: memref<128x128x128xi32, #tpu.memory_space<hbm>>, %arg5: memref<4x128xi32, #tpu.memory_space<vmem>>, %arg6: memref<4x128x128xi32, #tpu.memory_space<vmem>>, %arg7: memref<!tpu.dma_semaphore, #tpu.memory_space<semaphore_mem>>) attributes {dimension_semantics = [#tpu.dimension_semantics<core_parallel>, #tpu.dimension_semantics<subcore_parallel>], iteration_bounds = array<i64: 2, 16>, scalar_prefetch = 0 : i64, scratch_operands = 3 : i64, tpu.core_type = #tpu.core_type<sc_vector_subcore>, window_params = [{transform_indices = #map}, {transform_indices = #map}, {transform_indices = #map1}]} {
    %mul3A = arith.constant 2 : i32
    %mul3A_0 = arith.muli %arg1, %mul3A : i32
    %add3A = arith.addi %mul3A_0, %arg0 : i32
    %mul3A_1 = arith.constant 4 : i32
    %mul3A_2 = arith.muli %add3A, %mul3A_1 : i32
    "tpu.region"() ({
      %run_scoped3A = tpu.sem_alloc : memref<!tpu.dma_semaphore, #tpu.memory_space<semaphore_mem>>
      %dma_start3A_97 = arith.constant 0 : i32
      %dma_start3A_98 = tpu.memref_slice %arg2[%mul3A_2, %dma_start3A_97] : memref<128x128xi32, #tpu.memory_space<hbm>> -> memref<4x128xi32, #tpu.memory_space<hbm>>
      %dma_start3A_99 = arith.constant 0 : i32
      %dma_start3A_100 = tpu.memref_slice %arg2[%mul3A_2, %dma_start3A_99] : memref<128x128xi32, #tpu.memory_space<hbm>> -> memref<4x128xi32, #tpu.memory_space<hbm>>
      tpu.enqueue_dma source(%dma_start3A_100 : memref<4x128xi32, #tpu.memory_space<hbm>>) target(%arg5 : memref<4x128xi32, #tpu.memory_space<vmem>>) target_semaphore(%run_scoped3A : memref<!tpu.dma_semaphore, #tpu.memory_space<semaphore_mem>>)
      %dma_wait3A_101 = arith.constant 0 : i32
      %dma_wait3A_102 = tpu.memref_slice %arg2[%mul3A_2, %dma_wait3A_101] : memref<128x128xi32, #tpu.memory_space<hbm>> -> memref<4x128xi32, #tpu.memory_space<hbm>>
      %dma_wait3A_103 = arith.constant 0 : i32
      %dma_wait3A_104 = tpu.memref_slice %arg2[%mul3A_2, %dma_wait3A_103] : memref<128x128xi32, #tpu.memory_space<hbm>> -> memref<4x128xi32, #tpu.memory_space<hbm>>
      tpu.wait_dma2 semaphore(%run_scoped3A : memref<!tpu.dma_semaphore, #tpu.memory_space<semaphore_mem>>) src(%dma_wait3A_104 : memref<4x128xi32, #tpu.memory_space<hbm>>) dst(%arg5 : memref<4x128xi32, #tpu.memory_space<vmem>>)
      tpu.yield
    }) : () -> ()
    %dma_start3A = arith.constant 0 : i32
    %dma_start3A_3 = arith.constant 0 : i32
    %dma_start3A_4 = arith.constant 0 : i32
    %dma_start3A_5 = arith.constant 0 : i32
    %dma_start3A_6 = tpu.memref_slice %arg6[%dma_start3A_3, %dma_start3A_4, %dma_start3A_5] : memref<4x128x128xi32, #tpu.memory_space<vmem>> -> memref<1x128x128xi32, #tpu.memory_space<vmem>>
    %dma_start3A_7 = tpu.memref_squeeze %dma_start3A_6 : memref<1x128x128xi32, #tpu.memory_space<vmem>> -> memref<128x128xi32, #tpu.memory_space<vmem>>
    %dma_start3A_8 = arith.constant 0 : i32
    %dma_start3A_9 = tpu.memref_slice %arg5[%dma_start3A, %dma_start3A_8] : memref<4x128xi32, #tpu.memory_space<vmem>> -> memref<1x128xi32, #tpu.memory_space<vmem>>
    %dma_start3A_10 = tpu.memref_squeeze %dma_start3A_9 : memref<1x128xi32, #tpu.memory_space<vmem>> -> memref<128xi32, #tpu.memory_space<vmem>>
    %dma_start3A_11 = arith.constant 0 : i32
    %dma_start3A_12 = arith.constant 0 : i32
    %dma_start3A_13 = tpu.memref_slice %arg3[%dma_start3A_11, %dma_start3A_12] : memref<253952x128xi32, #tpu.memory_space<hbm>> -> memref<253952x128xi32, #tpu.memory_space<hbm>>
    tpu.enqueue_indirect_dma source(%dma_start3A_13 : memref<253952x128xi32, #tpu.memory_space<hbm>>) target(%dma_start3A_7 : memref<128x128xi32, #tpu.memory_space<vmem>>) offsets(%dma_start3A_10 : memref<128xi32, #tpu.memory_space<vmem>>) semaphore(%arg7 : memref<!tpu.dma_semaphore, #tpu.memory_space<semaphore_mem>>)
    %dma_start3A_14 = arith.constant 1 : i32
    %dma_start3A_15 = arith.constant 1 : i32
    %dma_start3A_16 = arith.constant 0 : i32
    %dma_start3A_17 = arith.constant 0 : i32
    %dma_start3A_18 = tpu.memref_slice %arg6[%dma_start3A_15, %dma_start3A_16, %dma_start3A_17] : memref<4x128x128xi32, #tpu.memory_space<vmem>> -> memref<1x128x128xi32, #tpu.memory_space<vmem>>
    %dma_start3A_19 = tpu.memref_squeeze %dma_start3A_18 : memref<1x128x128xi32, #tpu.memory_space<vmem>> -> memref<128x128xi32, #tpu.memory_space<vmem>>
    %dma_start3A_20 = arith.constant 0 : i32
    %dma_start3A_21 = tpu.memref_slice %arg5[%dma_start3A_14, %dma_start3A_20] : memref<4x128xi32, #tpu.memory_space<vmem>> -> memref<1x128xi32, #tpu.memory_space<vmem>>
    %dma_start3A_22 = tpu.memref_squeeze %dma_start3A_21 : memref<1x128xi32, #tpu.memory_space<vmem>> -> memref<128xi32, #tpu.memory_space<vmem>>
    %dma_start3A_23 = arith.constant 0 : i32
    %dma_start3A_24 = arith.constant 0 : i32
    %dma_start3A_25 = tpu.memref_slice %arg3[%dma_start3A_23, %dma_start3A_24] : memref<253952x128xi32, #tpu.memory_space<hbm>> -> memref<253952x128xi32, #tpu.memory_space<hbm>>
    tpu.enqueue_indirect_dma source(%dma_start3A_25 : memref<253952x128xi32, #tpu.memory_space<hbm>>) target(%dma_start3A_19 : memref<128x128xi32, #tpu.memory_space<vmem>>) offsets(%dma_start3A_22 : memref<128xi32, #tpu.memory_space<vmem>>) semaphore(%arg7 : memref<!tpu.dma_semaphore, #tpu.memory_space<semaphore_mem>>)
    %dma_start3A_26 = arith.constant 2 : i32
    %dma_start3A_27 = arith.constant 2 : i32
    %dma_start3A_28 = arith.constant 0 : i32
    %dma_start3A_29 = arith.constant 0 : i32
    %dma_start3A_30 = tpu.memref_slice %arg6[%dma_start3A_27, %dma_start3A_28, %dma_start3A_29] : memref<4x128x128xi32, #tpu.memory_space<vmem>> -> memref<1x128x128xi32, #tpu.memory_space<vmem>>
    %dma_start3A_31 = tpu.memref_squeeze %dma_start3A_30 : memref<1x128x128xi32, #tpu.memory_space<vmem>> -> memref<128x128xi32, #tpu.memory_space<vmem>>
    %dma_start3A_32 = arith.constant 0 : i32
    %dma_start3A_33 = tpu.memref_slice %arg5[%dma_start3A_26, %dma_start3A_32] : memref<4x128xi32, #tpu.memory_space<vmem>> -> memref<1x128xi32, #tpu.memory_space<vmem>>
    %dma_start3A_34 = tpu.memref_squeeze %dma_start3A_33 : memref<1x128xi32, #tpu.memory_space<vmem>> -> memref<128xi32, #tpu.memory_space<vmem>>
    %dma_start3A_35 = arith.constant 0 : i32
    %dma_start3A_36 = arith.constant 0 : i32
    %dma_start3A_37 = tpu.memref_slice %arg3[%dma_start3A_35, %dma_start3A_36] : memref<253952x128xi32, #tpu.memory_space<hbm>> -> memref<253952x128xi32, #tpu.memory_space<hbm>>
    tpu.enqueue_indirect_dma source(%dma_start3A_37 : memref<253952x128xi32, #tpu.memory_space<hbm>>) target(%dma_start3A_31 : memref<128x128xi32, #tpu.memory_space<vmem>>) offsets(%dma_start3A_34 : memref<128xi32, #tpu.memory_space<vmem>>) semaphore(%arg7 : memref<!tpu.dma_semaphore, #tpu.memory_space<semaphore_mem>>)
    %dma_start3A_38 = arith.constant 3 : i32
    %dma_start3A_39 = arith.constant 3 : i32
    %dma_start3A_40 = arith.constant 0 : i32
    %dma_start3A_41 = arith.constant 0 : i32
    %dma_start3A_42 = tpu.memref_slice %arg6[%dma_start3A_39, %dma_start3A_40, %dma_start3A_41] : memref<4x128x128xi32, #tpu.memory_space<vmem>> -> memref<1x128x128xi32, #tpu.memory_space<vmem>>
    %dma_start3A_43 = tpu.memref_squeeze %dma_start3A_42 : memref<1x128x128xi32, #tpu.memory_space<vmem>> -> memref<128x128xi32, #tpu.memory_space<vmem>>
    %dma_start3A_44 = arith.constant 0 : i32
    %dma_start3A_45 = tpu.memref_slice %arg5[%dma_start3A_38, %dma_start3A_44] : memref<4x128xi32, #tpu.memory_space<vmem>> -> memref<1x128xi32, #tpu.memory_space<vmem>>
    %dma_start3A_46 = tpu.memref_squeeze %dma_start3A_45 : memref<1x128xi32, #tpu.memory_space<vmem>> -> memref<128xi32, #tpu.memory_space<vmem>>
    %dma_start3A_47 = arith.constant 0 : i32
    %dma_start3A_48 = arith.constant 0 : i32
    %dma_start3A_49 = tpu.memref_slice %arg3[%dma_start3A_47, %dma_start3A_48] : memref<253952x128xi32, #tpu.memory_space<hbm>> -> memref<253952x128xi32, #tpu.memory_space<hbm>>
    tpu.enqueue_indirect_dma source(%dma_start3A_49 : memref<253952x128xi32, #tpu.memory_space<hbm>>) target(%dma_start3A_43 : memref<128x128xi32, #tpu.memory_space<vmem>>) offsets(%dma_start3A_46 : memref<128xi32, #tpu.memory_space<vmem>>) semaphore(%arg7 : memref<!tpu.dma_semaphore, #tpu.memory_space<semaphore_mem>>)
    %dma_wait3A = arith.constant 0 : i32
    %dma_wait3A_50 = arith.constant 0 : i32
    %dma_wait3A_51 = arith.constant 0 : i32
    %dma_wait3A_52 = arith.constant 0 : i32
    %dma_wait3A_53 = tpu.memref_slice %arg6[%dma_wait3A_50, %dma_wait3A_51, %dma_wait3A_52] : memref<4x128x128xi32, #tpu.memory_space<vmem>> -> memref<1x128x128xi32, #tpu.memory_space<vmem>>
    %dma_wait3A_54 = tpu.memref_squeeze %dma_wait3A_53 : memref<1x128x128xi32, #tpu.memory_space<vmem>> -> memref<128x128xi32, #tpu.memory_space<vmem>>
    %dma_wait3A_55 = arith.constant 0 : i32
    %dma_wait3A_56 = tpu.memref_slice %arg5[%dma_wait3A, %dma_wait3A_55] : memref<4x128xi32, #tpu.memory_space<vmem>> -> memref<1x128xi32, #tpu.memory_space<vmem>>
    %dma_wait3A_57 = tpu.memref_squeeze %dma_wait3A_56 : memref<1x128xi32, #tpu.memory_space<vmem>> -> memref<128xi32, #tpu.memory_space<vmem>>
    %dma_wait3A_58 = arith.constant 0 : i32
    %dma_wait3A_59 = arith.constant 0 : i32
    %dma_wait3A_60 = tpu.memref_slice %arg3[%dma_wait3A_58, %dma_wait3A_59] : memref<253952x128xi32, #tpu.memory_space<hbm>> -> memref<253952x128xi32, #tpu.memory_space<hbm>>
    tpu.wait_indirect_dma semaphore(%arg7 : memref<!tpu.dma_semaphore, #tpu.memory_space<semaphore_mem>>) src(%dma_wait3A_60 : memref<253952x128xi32, #tpu.memory_space<hbm>>) dst(%dma_wait3A_54 : memref<128x128xi32, #tpu.memory_space<vmem>>)
    %dma_wait3A_61 = arith.constant 1 : i32
    %dma_wait3A_62 = arith.constant 1 : i32
    %dma_wait3A_63 = arith.constant 0 : i32
    %dma_wait3A_64 = arith.constant 0 : i32
    %dma_wait3A_65 = tpu.memref_slice %arg6[%dma_wait3A_62, %dma_wait3A_63, %dma_wait3A_64] : memref<4x128x128xi32, #tpu.memory_space<vmem>> -> memref<1x128x128xi32, #tpu.memory_space<vmem>>
    %dma_wait3A_66 = tpu.memref_squeeze %dma_wait3A_65 : memref<1x128x128xi32, #tpu.memory_space<vmem>> -> memref<128x128xi32, #tpu.memory_space<vmem>>
    %dma_wait3A_67 = arith.constant 0 : i32
    %dma_wait3A_68 = tpu.memref_slice %arg5[%dma_wait3A_61, %dma_wait3A_67] : memref<4x128xi32, #tpu.memory_space<vmem>> -> memref<1x128xi32, #tpu.memory_space<vmem>>
    %dma_wait3A_69 = tpu.memref_squeeze %dma_wait3A_68 : memref<1x128xi32, #tpu.memory_space<vmem>> -> memref<128xi32, #tpu.memory_space<vmem>>
    %dma_wait3A_70 = arith.constant 0 : i32
    %dma_wait3A_71 = arith.constant 0 : i32
    %dma_wait3A_72 = tpu.memref_slice %arg3[%dma_wait3A_70, %dma_wait3A_71] : memref<253952x128xi32, #tpu.memory_space<hbm>> -> memref<253952x128xi32, #tpu.memory_space<hbm>>
    tpu.wait_indirect_dma semaphore(%arg7 : memref<!tpu.dma_semaphore, #tpu.memory_space<semaphore_mem>>) src(%dma_wait3A_72 : memref<253952x128xi32, #tpu.memory_space<hbm>>) dst(%dma_wait3A_66 : memref<128x128xi32, #tpu.memory_space<vmem>>)
    %dma_wait3A_73 = arith.constant 2 : i32
    %dma_wait3A_74 = arith.constant 2 : i32
    %dma_wait3A_75 = arith.constant 0 : i32
    %dma_wait3A_76 = arith.constant 0 : i32
    %dma_wait3A_77 = tpu.memref_slice %arg6[%dma_wait3A_74, %dma_wait3A_75, %dma_wait3A_76] : memref<4x128x128xi32, #tpu.memory_space<vmem>> -> memref<1x128x128xi32, #tpu.memory_space<vmem>>
    %dma_wait3A_78 = tpu.memref_squeeze %dma_wait3A_77 : memref<1x128x128xi32, #tpu.memory_space<vmem>> -> memref<128x128xi32, #tpu.memory_space<vmem>>
    %dma_wait3A_79 = arith.constant 0 : i32
    %dma_wait3A_80 = tpu.memref_slice %arg5[%dma_wait3A_73, %dma_wait3A_79] : memref<4x128xi32, #tpu.memory_space<vmem>> -> memref<1x128xi32, #tpu.memory_space<vmem>>
    %dma_wait3A_81 = tpu.memref_squeeze %dma_wait3A_80 : memref<1x128xi32, #tpu.memory_space<vmem>> -> memref<128xi32, #tpu.memory_space<vmem>>
    %dma_wait3A_82 = arith.constant 0 : i32
    %dma_wait3A_83 = arith.constant 0 : i32
    %dma_wait3A_84 = tpu.memref_slice %arg3[%dma_wait3A_82, %dma_wait3A_83] : memref<253952x128xi32, #tpu.memory_space<hbm>> -> memref<253952x128xi32, #tpu.memory_space<hbm>>
    tpu.wait_indirect_dma semaphore(%arg7 : memref<!tpu.dma_semaphore, #tpu.memory_space<semaphore_mem>>) src(%dma_wait3A_84 : memref<253952x128xi32, #tpu.memory_space<hbm>>) dst(%dma_wait3A_78 : memref<128x128xi32, #tpu.memory_space<vmem>>)
    %dma_wait3A_85 = arith.constant 3 : i32
    %dma_wait3A_86 = arith.constant 3 : i32
    %dma_wait3A_87 = arith.constant 0 : i32
    %dma_wait3A_88 = arith.constant 0 : i32
    %dma_wait3A_89 = tpu.memref_slice %arg6[%dma_wait3A_86, %dma_wait3A_87, %dma_wait3A_88] : memref<4x128x128xi32, #tpu.memory_space<vmem>> -> memref<1x128x128xi32, #tpu.memory_space<vmem>>
    %dma_wait3A_90 = tpu.memref_squeeze %dma_wait3A_89 : memref<1x128x128xi32, #tpu.memory_space<vmem>> -> memref<128x128xi32, #tpu.memory_space<vmem>>
    %dma_wait3A_91 = arith.constant 0 : i32
    %dma_wait3A_92 = tpu.memref_slice %arg5[%dma_wait3A_85, %dma_wait3A_91] : memref<4x128xi32, #tpu.memory_space<vmem>> -> memref<1x128xi32, #tpu.memory_space<vmem>>
    %dma_wait3A_93 = tpu.memref_squeeze %dma_wait3A_92 : memref<1x128xi32, #tpu.memory_space<vmem>> -> memref<128xi32, #tpu.memory_space<vmem>>
    %dma_wait3A_94 = arith.constant 0 : i32
    %dma_wait3A_95 = arith.constant 0 : i32
    %dma_wait3A_96 = tpu.memref_slice %arg3[%dma_wait3A_94, %dma_wait3A_95] : memref<253952x128xi32, #tpu.memory_space<hbm>> -> memref<253952x128xi32, #tpu.memory_space<hbm>>
    tpu.wait_indirect_dma semaphore(%arg7 : memref<!tpu.dma_semaphore, #tpu.memory_space<semaphore_mem>>) src(%dma_wait3A_96 : memref<253952x128xi32, #tpu.memory_space<hbm>>) dst(%dma_wait3A_90 : memref<128x128xi32, #tpu.memory_space<vmem>>)
    "tpu.region"() ({
      %run_scoped3A = tpu.sem_alloc : memref<!tpu.dma_semaphore, #tpu.memory_space<semaphore_mem>>
      %dma_start3A_97 = arith.constant 0 : i32
      %dma_start3A_98 = arith.constant 0 : i32
      %dma_start3A_99 = tpu.memref_slice %arg4[%mul3A_2, %dma_start3A_97, %dma_start3A_98] : memref<128x128x128xi32, #tpu.memory_space<hbm>> -> memref<4x128x128xi32, #tpu.memory_space<hbm>>
      %dma_start3A_100 = arith.constant 0 : i32
      %dma_start3A_101 = arith.constant 0 : i32
      %dma_start3A_102 = tpu.memref_slice %arg4[%mul3A_2, %dma_start3A_100, %dma_start3A_101] : memref<128x128x128xi32, #tpu.memory_space<hbm>> -> memref<4x128x128xi32, #tpu.memory_space<hbm>>
      tpu.enqueue_dma source(%arg6 : memref<4x128x128xi32, #tpu.memory_space<vmem>>) target(%dma_start3A_102 : memref<4x128x128xi32, #tpu.memory_space<hbm>>) target_semaphore(%run_scoped3A : memref<!tpu.dma_semaphore, #tpu.memory_space<semaphore_mem>>)
      %dma_wait3A_103 = arith.constant 0 : i32
      %dma_wait3A_104 = arith.constant 0 : i32
      %dma_wait3A_105 = tpu.memref_slice %arg4[%mul3A_2, %dma_wait3A_103, %dma_wait3A_104] : memref<128x128x128xi32, #tpu.memory_space<hbm>> -> memref<4x128x128xi32, #tpu.memory_space<hbm>>
      %dma_wait3A_106 = arith.constant 0 : i32
      %dma_wait3A_107 = arith.constant 0 : i32
      %dma_wait3A_108 = tpu.memref_slice %arg4[%mul3A_2, %dma_wait3A_106, %dma_wait3A_107] : memref<128x128x128xi32, #tpu.memory_space<hbm>> -> memref<4x128x128xi32, #tpu.memory_space<hbm>>
      tpu.wait_dma2 semaphore(%run_scoped3A : memref<!tpu.dma_semaphore, #tpu.memory_space<semaphore_mem>>) src(%arg6 : memref<4x128x128xi32, #tpu.memory_space<vmem>>) dst(%dma_wait3A_108 : memref<4x128x128xi32, #tpu.memory_space<hbm>>)
      tpu.yield
    }) : () -> ()
    return
  }
}

module attributes {stable_mosaic.version = 14 : i64} {
  func.func @body(%arg0: i32, %arg1: memref<64x32768xf32, #tpu.memory_space<vmem>>, %arg2: memref<64x64xbf16, #tpu.memory_space<vmem>>, %arg3: memref<8192x128xi32, #tpu.memory_space<vmem>>) attributes {dimension_semantics = [#tpu.dimension_semantics<parallel>], iteration_bounds = array<i64: 31>, scalar_prefetch = 0 : i64, scratch_operands = 0 : i64, tpu.core_type = #tpu.core_type<tc>, window_params = [{transform_indices = @transform_0, window_bounds = array<i64: 64, 32768>}, {pipeline_mode = #tpu.pipeline_mode<synchronous>, transform_indices = @transform_1, window_bounds = array<i64: 64, 64>}, {transform_indices = @transform_2, window_bounds = array<i64: 8192, 128>}]} {
    %get3A = arith.constant 0 : index
    %get3A_0 = arith.constant 0 : index
    %get3A_1 = vector.load %arg1[%get3A, %get3A_0] : memref<64x32768xf32, #tpu.memory_space<vmem>>, vector<64x32768xf32>
    %convert_element_type3A = arith.truncf %get3A_1 : vector<64x32768xf32> to vector<64x32768xbf16>
    %get3A_2 = arith.constant 0 : index
    %get3A_3 = arith.constant 0 : index
    %get3A_4 = vector.load %arg2[%get3A_2, %get3A_3] : memref<64x64xbf16, #tpu.memory_space<vmem>>, vector<64x64xbf16>
    %dot_general3A = arith.constant dense<0.000000e+00> : vector<32768x64xf32>
    %dot_general3A_5 = tpu.matmul %convert_element_type3A, %get3A_4, %dot_general3A {dimension_numbers = #tpu.dot_dimension_numbers<[0], [0], [1], [1], [0, 1, 1, 1], [], []>, transpose_lhs_hint = false} : vector<64x32768xbf16>, vector<64x64xbf16>, vector<32768x64xf32> -> vector<32768x64xf32>
    %bitcast_convert_type3A = tpu.bitcast %dot_general3A_5 : vector<32768x64xf32> -> vector<32768x64xi32>
    %slice3A = vector.extract_strided_slice %bitcast_convert_type3A {offsets = [0, 0], sizes = [8192, 64], strides = [1, 1]} : vector<32768x64xi32> to vector<8192x64xi32>
    %shift_right_logical3A = arith.constant 16 : i32
    %shift_right_logical3A_6 = vector.broadcast %shift_right_logical3A : i32 to vector<8192x64xi32>
    %shift_right_logical3A_7 = arith.shrui %slice3A, %shift_right_logical3A_6 : vector<8192x64xi32>
    %slice3A_8 = vector.extract_strided_slice %bitcast_convert_type3A {offsets = [8192, 0], sizes = [8192, 64], strides = [1, 1]} : vector<32768x64xi32> to vector<8192x64xi32>
    %or3A = arith.ori %shift_right_logical3A_7, %slice3A_8 : vector<8192x64xi32>
    %swap3A = arith.constant 0 : index
    %swap3A_9 = arith.constant 0 : index
    %swap3A_10 = vector.load %arg3[%swap3A, %swap3A_9] : memref<8192x128xi32, #tpu.memory_space<vmem>>, vector<8192x64xi32>
    tpu.vector_store %arg3[%swap3A, %swap3A_9], %or3A {strides = array<i32>} : memref<8192x128xi32, #tpu.memory_space<vmem>>, vector<8192x64xi32>,
    %slice3A_11 = vector.extract_strided_slice %bitcast_convert_type3A {offsets = [16384, 0], sizes = [8192, 64], strides = [1, 1]} : vector<32768x64xi32> to vector<8192x64xi32>
    %shift_right_logical3A_12 = arith.constant 16 : i32
    %shift_right_logical3A_13 = vector.broadcast %shift_right_logical3A_12 : i32 to vector<8192x64xi32>
    %shift_right_logical3A_14 = arith.shrui %slice3A_11, %shift_right_logical3A_13 : vector<8192x64xi32>
    %slice3A_15 = vector.extract_strided_slice %bitcast_convert_type3A {offsets = [24576, 0], sizes = [8192, 64], strides = [1, 1]} : vector<32768x64xi32> to vector<8192x64xi32>
    %or3A_16 = arith.ori %shift_right_logical3A_14, %slice3A_15 : vector<8192x64xi32>
    %swap3A_17 = arith.constant 0 : index
    %swap3A_18 = arith.constant 64 : index
    %swap3A_19 = vector.load %arg3[%swap3A_17, %swap3A_18] : memref<8192x128xi32, #tpu.memory_space<vmem>>, vector<8192x64xi32>
    tpu.vector_store %arg3[%swap3A_17, %swap3A_18], %or3A_16 {strides = array<i32>} : memref<8192x128xi32, #tpu.memory_space<vmem>>, vector<8192x64xi32>,
    return
  }
  func.func @transform_0(%arg0: i32) -> (i32, i32) {
    %c0_i32 = arith.constant 0 : i32
    %c0_i32_0 = arith.constant 0 : i32
    return %c0_i32, %arg0 : i32, i32
  }
  func.func @transform_1(%arg0: i32) -> (i32, i32) {
    %c0_i32 = arith.constant 0 : i32
    %c0_i32_0 = arith.constant 0 : i32
    %c0_i32_1 = arith.constant 0 : i32
    return %c0_i32, %c0_i32_0 : i32, i32
  }
  func.func @transform_2(%arg0: i32) -> (i32, i32) {
    %c0_i32 = arith.constant 0 : i32
    %c0_i32_0 = arith.constant 0 : i32
    return %arg0, %c0_i32 : i32, i32
  }
}

module attributes {stable_mosaic.version = 14 : i64} {
  func.func @_k1_body(%arg0: i32, %arg1: memref<2048x128xf32, #tpu.memory_space<vmem>>, %arg2: memref<128x256xf32, #tpu.memory_space<vmem>>, %arg3: memref<1x256xf32, #tpu.memory_space<vmem>>, %arg4: memref<2048x256xbf16, #tpu.memory_space<vmem>>, %arg5: memref<2x256xf32, #tpu.memory_space<vmem>>) attributes {dimension_semantics = [#tpu.dimension_semantics<arbitrary>], iteration_bounds = array<i64: 8>, scalar_prefetch = 0 : i64, scratch_operands = 0 : i64, tpu.core_type = #tpu.core_type<tc>, window_params = [{transform_indices = @transform_0, window_bounds = array<i64: 2048, 128>}, {pipeline_mode = #tpu.pipeline_mode<synchronous>, transform_indices = @transform_1, window_bounds = array<i64: 128, 256>}, {pipeline_mode = #tpu.pipeline_mode<synchronous>, transform_indices = @transform_2, window_bounds = array<i64: 1, 256>}, {transform_indices = @transform_3, window_bounds = array<i64: 2048, 256>}, {pipeline_mode = #tpu.pipeline_mode<synchronous>, transform_indices = @transform_4, window_bounds = array<i64: 2, 256>}]} {
    %get3A = arith.constant 0 : index
    %get3A_0 = arith.constant 0 : index
    %get3A_1 = vector.load %arg1[%get3A, %get3A_0] : memref<2048x128xf32, #tpu.memory_space<vmem>>, vector<2048x128xf32>
    %get3A_2 = arith.constant 0 : index
    %get3A_3 = arith.constant 0 : index
    %get3A_4 = vector.load %arg2[%get3A_2, %get3A_3] : memref<128x256xf32, #tpu.memory_space<vmem>>, vector<128x256xf32>
    %dot_general3A = arith.constant dense<0.000000e+00> : vector<2048x256xf32>
    %dot_general3A_5 = tpu.matmul %get3A_1, %get3A_4, %dot_general3A {dimension_numbers = #tpu.dot_dimension_numbers<[1], [0], [0], [1], [0, 0, 1, 1], [], []>, transpose_lhs_hint = false} : vector<2048x128xf32>, vector<128x256xf32>, vector<2048x256xf32> -> vector<2048x256xf32>
    %get3A_6 = arith.constant 0 : index
    %get3A_7 = arith.constant 0 : index
    %get3A_8 = vector.load %arg3[%get3A_6, %get3A_7] : memref<1x256xf32, #tpu.memory_space<vmem>>, vector<1x256xf32>
    %add3A = vector.broadcast %get3A_8 : vector<1x256xf32> to vector<2048x256xf32>
    %add3A_9 = arith.addf %dot_general3A_5, %add3A : vector<2048x256xf32>
    %convert_element_type3A = arith.truncf %add3A_9 : vector<2048x256xf32> to vector<2048x256xbf16>
    %swap3A = arith.constant 0 : index
    %swap3A_10 = arith.constant 0 : index
    %swap3A_11 = vector.load %arg4[%swap3A, %swap3A_10] : memref<2048x256xbf16, #tpu.memory_space<vmem>>, vector<2048x256xbf16>
    tpu.vector_store %arg4[%swap3A, %swap3A_10], %convert_element_type3A {strides = array<i32>} : memref<2048x256xbf16, #tpu.memory_space<vmem>>, vector<2048x256xbf16>,
    %reduce_sum3A = arith.constant dense<0.000000e+00> : vector<256xf32>
    %reduce_sum3A_12 = vector.multi_reduction <add>, %add3A_9, %reduce_sum3A [0] : vector<2048x256xf32> to vector<256xf32>
    %broadcast_in_dim3A = vector.shape_cast %reduce_sum3A_12 : vector<256xf32> to vector<1x256xf32>
    %mul3A = arith.mulf %add3A_9, %add3A_9 : vector<2048x256xf32>
    %reduce_sum3A_13 = arith.constant dense<0.000000e+00> : vector<256xf32>
    %reduce_sum3A_14 = vector.multi_reduction <add>, %mul3A, %reduce_sum3A_13 [0] : vector<2048x256xf32> to vector<256xf32>
    %broadcast_in_dim3A_15 = vector.shape_cast %reduce_sum3A_14 : vector<256xf32> to vector<1x256xf32>
    %concatenate3A = tpu.concatenate %broadcast_in_dim3A, %broadcast_in_dim3A_15 in 0 : vector<1x256xf32>, vector<1x256xf32> -> vector<2x256xf32>
    %eq3A = arith.constant 0 : i32
    %eq3A_16 = arith.cmpi eq, %arg0, %eq3A : i32
    %convert_element_type3A_17 = arith.extui %eq3A_16 : i1 to i32
    %cond3A = arith.constant 0 : i32
    %cond3A_18 = arith.cmpi ne, %convert_element_type3A_17, %cond3A : i32
    scf.if %cond3A_18 {
      %swap3A_23 = arith.constant 0 : index
      %swap3A_24 = arith.constant 0 : index
      %swap3A_25 = vector.load %arg5[%swap3A_23, %swap3A_24] : memref<2x256xf32, #tpu.memory_space<vmem>>, vector<2x256xf32>
      tpu.vector_store %arg5[%swap3A_23, %swap3A_24], %concatenate3A {strides = array<i32>} : memref<2x256xf32, #tpu.memory_space<vmem>>, vector<2x256xf32>,
    } else {
    }
    %ne3A = arith.constant 0 : i32
    %ne3A_19 = arith.cmpi ne, %arg0, %ne3A : i32
    %convert_element_type3A_20 = arith.extui %ne3A_19 : i1 to i32
    %cond3A_21 = arith.constant 0 : i32
    %cond3A_22 = arith.cmpi ne, %convert_element_type3A_20, %cond3A_21 : i32
    scf.if %cond3A_22 {
      %get3A_23 = arith.constant 0 : index
      %get3A_24 = arith.constant 0 : index
      %get3A_25 = vector.load %arg5[%get3A_23, %get3A_24] : memref<2x256xf32, #tpu.memory_space<vmem>>, vector<2x256xf32>
      %add3A_26 = arith.addf %get3A_25, %concatenate3A : vector<2x256xf32>
      %swap3A_27 = arith.constant 0 : index
      %swap3A_28 = arith.constant 0 : index
      %swap3A_29 = vector.load %arg5[%swap3A_27, %swap3A_28] : memref<2x256xf32, #tpu.memory_space<vmem>>, vector<2x256xf32>
      tpu.vector_store %arg5[%swap3A_27, %swap3A_28], %add3A_26 {strides = array<i32>} : memref<2x256xf32, #tpu.memory_space<vmem>>, vector<2x256xf32>,
    } else {
    }
    return
  }
  func.func @transform_0(%arg0: i32) -> (i32, i32) {
    %c0_i32 = arith.constant 0 : i32
    %c0_i32_0 = arith.constant 0 : i32
    return %arg0, %c0_i32 : i32, i32
  }
  func.func @transform_1(%arg0: i32) -> (i32, i32) {
    %c0_i32 = arith.constant 0 : i32
    %c0_i32_0 = arith.constant 0 : i32
    %c0_i32_1 = arith.constant 0 : i32
    return %c0_i32, %c0_i32_0 : i32, i32
  }
  func.func @transform_2(%arg0: i32) -> (i32, i32) {
    %c0_i32 = arith.constant 0 : i32
    %c0_i32_0 = arith.constant 0 : i32
    %c0_i32_1 = arith.constant 0 : i32
    return %c0_i32, %c0_i32_0 : i32, i32
  }
  func.func @transform_3(%arg0: i32) -> (i32, i32) {
    %c0_i32 = arith.constant 0 : i32
    %c0_i32_0 = arith.constant 0 : i32
    return %arg0, %c0_i32 : i32, i32
  }
  func.func @transform_4(%arg0: i32) -> (i32, i32) {
    %c0_i32 = arith.constant 0 : i32
    %c0_i32_0 = arith.constant 0 : i32
    %c0_i32_1 = arith.constant 0 : i32
    return %c0_i32, %c0_i32_0 : i32, i32
  }
}

module attributes {stable_mosaic.version = 14 : i64} {
  func.func @_k2_body(%arg0: i32, %arg1: memref<2048x128xi32, #tpu.memory_space<vmem>>, %arg2: memref<2048x1xf32, #tpu.memory_space<vmem>>, %arg3: memref<2048x256xbf16, #tpu.memory_space<vmem>>, %arg4: memref<64x256xf32, #tpu.memory_space<vmem>>, %arg5: memref<256x256xf32, #tpu.memory_space<vmem>>, %arg6: memref<1x256xf32, #tpu.memory_space<vmem>>, %arg7: memref<2x256xf32, #tpu.memory_space<vmem>>, %arg8: memref<1x256xf32, #tpu.memory_space<vmem>>, %arg9: memref<1x256xf32, #tpu.memory_space<vmem>>, %arg10: memref<2048x256xbf16, #tpu.memory_space<vmem>>, %arg11: memref<2x256xf32, #tpu.memory_space<vmem>>) attributes {dimension_semantics = [#tpu.dimension_semantics<arbitrary>], iteration_bounds = array<i64: 8>, scalar_prefetch = 0 : i64, scratch_operands = 0 : i64, tpu.core_type = #tpu.core_type<tc>, window_params = [{transform_indices = @transform_0, window_bounds = array<i64: 2048, 128>}, {transform_indices = @transform_1, window_bounds = array<i64: 2048, 1>}, {transform_indices = @transform_2, window_bounds = array<i64: 2048, 256>}, {pipeline_mode = #tpu.pipeline_mode<synchronous>, transform_indices = @transform_3, window_bounds = array<i64: 64, 256>}, {pipeline_mode = #tpu.pipeline_mode<synchronous>, transform_indices = @transform_4, window_bounds = array<i64: 256, 256>}, {pipeline_mode = #tpu.pipeline_mode<synchronous>, transform_indices = @transform_5, window_bounds = array<i64: 1, 256>}, {pipeline_mode = #tpu.pipeline_mode<synchronous>, transform_indices = @transform_6, window_bounds = array<i64: 2, 256>}, {pipeline_mode = #tpu.pipeline_mode<synchronous>, transform_indices = @transform_7, window_bounds = array<i64: 1, 256>}, {pipeline_mode = #tpu.pipeline_mode<synchronous>, transform_indices = @transform_8, window_bounds = array<i64: 1, 256>}, {transform_indices = @transform_9, window_bounds = array<i64: 2048, 256>}, {pipeline_mode = #tpu.pipeline_mode<synchronous>, transform_indices = @transform_10, window_bounds = array<i64: 2, 256>}]} {
    %get3A = arith.constant 0 : index
    %get3A_0 = arith.constant 0 : index
    %get3A_1 = vector.load %arg7[%get3A, %get3A_0] : memref<2x256xf32, #tpu.memory_space<vmem>>, vector<1x256xf32>
    %mul3A = arith.constant 6.10351563E-5 : f32
    %mul3A_2 = vector.broadcast %mul3A : f32 to vector<1x256xf32>
    %mul3A_3 = arith.mulf %get3A_1, %mul3A_2 : vector<1x256xf32>
    %get3A_4 = arith.constant 1 : index
    %get3A_5 = arith.constant 0 : index
    %get3A_6 = vector.load %arg7[%get3A_4, %get3A_5] : memref<2x256xf32, #tpu.memory_space<vmem>>, vector<1x256xf32>
    %mul3A_7 = arith.constant 6.10351563E-5 : f32
    %mul3A_8 = vector.broadcast %mul3A_7 : f32 to vector<1x256xf32>
    %mul3A_9 = arith.mulf %get3A_6, %mul3A_8 : vector<1x256xf32>
    %mul3A_10 = arith.mulf %mul3A_3, %mul3A_3 : vector<1x256xf32>
    %sub3A = arith.subf %mul3A_9, %mul3A_10 : vector<1x256xf32>
    %get3A_11 = arith.constant 0 : index
    %get3A_12 = arith.constant 0 : index
    %get3A_13 = vector.load %arg8[%get3A_11, %get3A_12] : memref<1x256xf32, #tpu.memory_space<vmem>>, vector<1x256xf32>
    %add3A = arith.constant 9.99999974E-6 : f32
    %add3A_14 = vector.broadcast %add3A : f32 to vector<1x256xf32>
    %add3A_15 = arith.addf %sub3A, %add3A_14 : vector<1x256xf32>
    %rsqrt3A = math.rsqrt %add3A_15 : vector<1x256xf32>
    %mul3A_16 = arith.mulf %get3A_13, %rsqrt3A : vector<1x256xf32>
    %get3A_17 = arith.constant 0 : index
    %get3A_18 = arith.constant 0 : index
    %get3A_19 = vector.load %arg9[%get3A_17, %get3A_18] : memref<1x256xf32, #tpu.memory_space<vmem>>, vector<1x256xf32>
    %mul3A_20 = arith.mulf %mul3A_3, %mul3A_16 : vector<1x256xf32>
    %sub3A_21 = arith.subf %get3A_19, %mul3A_20 : vector<1x256xf32>
    %get3A_22 = arith.constant 0 : index
    %get3A_23 = arith.constant 0 : index
    %get3A_24 = vector.load %arg3[%get3A_22, %get3A_23] : memref<2048x256xbf16, #tpu.memory_space<vmem>>, vector<2048x256xbf16>
    %convert_element_type3A = arith.extf %get3A_24 : vector<2048x256xbf16> to vector<2048x256xf32>
    %mul3A_25 = vector.broadcast %mul3A_16 : vector<1x256xf32> to vector<2048x256xf32>
    %mul3A_26 = arith.mulf %convert_element_type3A, %mul3A_25 : vector<2048x256xf32>
    %add3A_27 = vector.broadcast %sub3A_21 : vector<1x256xf32> to vector<2048x256xf32>
    %add3A_28 = arith.addf %mul3A_26, %add3A_27 : vector<2048x256xf32>
    %get3A_29 = arith.constant 0 : index
    %get3A_30 = arith.constant 0 : index
    %get3A_31 = vector.load %arg1[%get3A_29, %get3A_30] : memref<2048x128xi32, #tpu.memory_space<vmem>>, vector<2048x128xi32>
    %get3A_32 = arith.constant 0 : index
    %get3A_33 = arith.constant 0 : index
    %get3A_34 = vector.load %arg2[%get3A_32, %get3A_33] : memref<2048x1xf32, #tpu.memory_space<vmem>>, vector<2048x1xf32>
    %lt3A = arith.constant 1.500000e+00 : f32
    %lt3A_35 = vector.broadcast %lt3A : f32 to vector<2048x1xf32>
    %lt3A_36 = arith.cmpf olt, %get3A_34, %lt3A_35 : vector<2048x1xf32>
    %slice3A = vector.extract_strided_slice %get3A_31 {offsets = [0, 0], sizes = [2048, 64], strides = [1, 1]} : vector<2048x128xi32> to vector<2048x64xi32>
    %slice3A_37 = vector.extract_strided_slice %get3A_31 {offsets = [0, 64], sizes = [2048, 64], strides = [1, 1]} : vector<2048x128xi32> to vector<2048x64xi32>
    %broadcast_in_dim3A = vector.shape_cast %lt3A_36 : vector<2048x1xi1> to vector<2048x1xi1>
    %broadcast_in_dim3A_38 = vector.broadcast %broadcast_in_dim3A : vector<2048x1xi1> to vector<2048x64xi1>
    %select_n3A = arith.select %broadcast_in_dim3A_38, %slice3A, %slice3A_37 : vector<2048x64xi1>, vector<2048x64xi32>
    %shift_left3A = arith.constant 16 : i32
    %shift_left3A_39 = vector.broadcast %shift_left3A : i32 to vector<2048x64xi32>
    %shift_left3A_40 = arith.shli %select_n3A, %shift_left3A_39 : vector<2048x64xi32>
    %bitcast_convert_type3A = tpu.bitcast %shift_left3A_40 : vector<2048x64xi32> -> vector<2048x64xf32>
    %and3A = arith.constant -65536 : i32
    %and3A_41 = vector.broadcast %and3A : i32 to vector<2048x64xi32>
    %and3A_42 = arith.andi %select_n3A, %and3A_41 : vector<2048x64xi32>
    %bitcast_convert_type3A_43 = tpu.bitcast %and3A_42 : vector<2048x64xi32> -> vector<2048x64xf32>
    %mul3A_44 = arith.constant 5.000000e-01 : f32
    %mul3A_45 = vector.broadcast %mul3A_44 : f32 to vector<2048x1xf32>
    %mul3A_46 = arith.mulf %get3A_34, %mul3A_45 : vector<2048x1xf32>
    %floor3A = math.floor %mul3A_46 : vector<2048x1xf32>
    %mul3A_47 = arith.constant 2.000000e+00 : f32
    %mul3A_48 = vector.broadcast %mul3A_47 : f32 to vector<2048x1xf32>
    %mul3A_49 = arith.mulf %mul3A_48, %floor3A : vector<2048x1xf32>
    %sub3A_50 = arith.subf %get3A_34, %mul3A_49 : vector<2048x1xf32>
    %gt3A = arith.constant 5.000000e-01 : f32
    %gt3A_51 = vector.broadcast %gt3A : f32 to vector<2048x1xf32>
    %gt3A_52 = arith.cmpf ogt, %sub3A_50, %gt3A_51 : vector<2048x1xf32>
    %broadcast_in_dim3A_53 = vector.shape_cast %gt3A_52 : vector<2048x1xi1> to vector<2048x1xi1>
    %broadcast_in_dim3A_54 = vector.broadcast %broadcast_in_dim3A_53 : vector<2048x1xi1> to vector<2048x64xi1>
    %select_n3A_55 = arith.select %broadcast_in_dim3A_54, %bitcast_convert_type3A_43, %bitcast_convert_type3A : vector<2048x64xi1>, vector<2048x64xf32>
    %get3A_56 = arith.constant 0 : index
    %get3A_57 = arith.constant 0 : index
    %get3A_58 = vector.load %arg4[%get3A_56, %get3A_57] : memref<64x256xf32, #tpu.memory_space<vmem>>, vector<64x256xf32>
    %dot_general3A = arith.constant dense<0.000000e+00> : vector<2048x256xf32>
    %dot_general3A_59 = tpu.matmul %select_n3A_55, %get3A_58, %dot_general3A {dimension_numbers = #tpu.dot_dimension_numbers<[1], [0], [0], [1], [0, 0, 1, 1], [], []>, transpose_lhs_hint = false} : vector<2048x64xf32>, vector<64x256xf32>, vector<2048x256xf32> -> vector<2048x256xf32>
    %get3A_60 = arith.constant 0 : index
    %get3A_61 = arith.constant 0 : index
    %get3A_62 = vector.load %arg5[%get3A_60, %get3A_61] : memref<256x256xf32, #tpu.memory_space<vmem>>, vector<256x256xf32>
    %dot_general3A_63 = arith.constant dense<0.000000e+00> : vector<2048x256xf32>
    %dot_general3A_64 = tpu.matmul %add3A_28, %get3A_62, %dot_general3A_63 {dimension_numbers = #tpu.dot_dimension_numbers<[1], [0], [0], [1], [0, 0, 1, 1], [], []>, transpose_lhs_hint = false} : vector<2048x256xf32>, vector<256x256xf32>, vector<2048x256xf32> -> vector<2048x256xf32>
    %add3A_65 = arith.addf %dot_general3A_59, %dot_general3A_64 : vector<2048x256xf32>
    %get3A_66 = arith.constant 0 : index
    %get3A_67 = arith.constant 0 : index
    %get3A_68 = vector.load %arg6[%get3A_66, %get3A_67] : memref<1x256xf32, #tpu.memory_space<vmem>>, vector<1x256xf32>
    %add3A_69 = vector.broadcast %get3A_68 : vector<1x256xf32> to vector<2048x256xf32>
    %add3A_70 = arith.addf %add3A_65, %add3A_69 : vector<2048x256xf32>
    %convert_element_type3A_71 = arith.truncf %add3A_70 : vector<2048x256xf32> to vector<2048x256xbf16>
    %swap3A = arith.constant 0 : index
    %swap3A_72 = arith.constant 0 : index
    %swap3A_73 = vector.load %arg10[%swap3A, %swap3A_72] : memref<2048x256xbf16, #tpu.memory_space<vmem>>, vector<2048x256xbf16>
    tpu.vector_store %arg10[%swap3A, %swap3A_72], %convert_element_type3A_71 {strides = array<i32>} : memref<2048x256xbf16, #tpu.memory_space<vmem>>, vector<2048x256xbf16>,
    %reduce_sum3A = arith.constant dense<0.000000e+00> : vector<256xf32>
    %reduce_sum3A_74 = vector.multi_reduction <add>, %add3A_70, %reduce_sum3A [0] : vector<2048x256xf32> to vector<256xf32>
    %broadcast_in_dim3A_75 = vector.shape_cast %reduce_sum3A_74 : vector<256xf32> to vector<1x256xf32>
    %mul3A_76 = arith.mulf %add3A_70, %add3A_70 : vector<2048x256xf32>
    %reduce_sum3A_77 = arith.constant dense<0.000000e+00> : vector<256xf32>
    %reduce_sum3A_78 = vector.multi_reduction <add>, %mul3A_76, %reduce_sum3A_77 [0] : vector<2048x256xf32> to vector<256xf32>
    %broadcast_in_dim3A_79 = vector.shape_cast %reduce_sum3A_78 : vector<256xf32> to vector<1x256xf32>
    %concatenate3A = tpu.concatenate %broadcast_in_dim3A_75, %broadcast_in_dim3A_79 in 0 : vector<1x256xf32>, vector<1x256xf32> -> vector<2x256xf32>
    %eq3A = arith.constant 0 : i32
    %eq3A_80 = arith.cmpi eq, %arg0, %eq3A : i32
    %convert_element_type3A_81 = arith.extui %eq3A_80 : i1 to i32
    %cond3A = arith.constant 0 : i32
    %cond3A_82 = arith.cmpi ne, %convert_element_type3A_81, %cond3A : i32
    scf.if %cond3A_82 {
      %swap3A_87 = arith.constant 0 : index
      %swap3A_88 = arith.constant 0 : index
      %swap3A_89 = vector.load %arg11[%swap3A_87, %swap3A_88] : memref<2x256xf32, #tpu.memory_space<vmem>>, vector<2x256xf32>
      tpu.vector_store %arg11[%swap3A_87, %swap3A_88], %concatenate3A {strides = array<i32>} : memref<2x256xf32, #tpu.memory_space<vmem>>, vector<2x256xf32>,
    } else {
    }
    %ne3A = arith.constant 0 : i32
    %ne3A_83 = arith.cmpi ne, %arg0, %ne3A : i32
    %convert_element_type3A_84 = arith.extui %ne3A_83 : i1 to i32
    %cond3A_85 = arith.constant 0 : i32
    %cond3A_86 = arith.cmpi ne, %convert_element_type3A_84, %cond3A_85 : i32
    scf.if %cond3A_86 {
      %get3A_87 = arith.constant 0 : index
      %get3A_88 = arith.constant 0 : index
      %get3A_89 = vector.load %arg11[%get3A_87, %get3A_88] : memref<2x256xf32, #tpu.memory_space<vmem>>, vector<2x256xf32>
      %add3A_90 = arith.addf %get3A_89, %concatenate3A : vector<2x256xf32>
      %swap3A_91 = arith.constant 0 : index
      %swap3A_92 = arith.constant 0 : index
      %swap3A_93 = vector.load %arg11[%swap3A_91, %swap3A_92] : memref<2x256xf32, #tpu.memory_space<vmem>>, vector<2x256xf32>
      tpu.vector_store %arg11[%swap3A_91, %swap3A_92], %add3A_90 {strides = array<i32>} : memref<2x256xf32, #tpu.memory_space<vmem>>, vector<2x256xf32>,
    } else {
    }
    return
  }
  func.func @transform_0(%arg0: i32) -> (i32, i32) {
    %c0_i32 = arith.constant 0 : i32
    %c0_i32_0 = arith.constant 0 : i32
    return %arg0, %c0_i32 : i32, i32
  }
  func.func @transform_1(%arg0: i32) -> (i32, i32) {
    %c0_i32 = arith.constant 0 : i32
    %c0_i32_0 = arith.constant 0 : i32
    return %arg0, %c0_i32 : i32, i32
  }
  func.func @transform_2(%arg0: i32) -> (i32, i32) {
    %c0_i32 = arith.constant 0 : i32
    %c0_i32_0 = arith.constant 0 : i32
    return %arg0, %c0_i32 : i32, i32
  }
  func.func @transform_3(%arg0: i32) -> (i32, i32) {
    %c0_i32 = arith.constant 0 : i32
    %c0_i32_0 = arith.constant 0 : i32
    %c0_i32_1 = arith.constant 0 : i32
    return %c0_i32, %c0_i32_0 : i32, i32
  }
  func.func @transform_4(%arg0: i32) -> (i32, i32) {
    %c0_i32 = arith.constant 0 : i32
    %c0_i32_0 = arith.constant 0 : i32
    %c0_i32_1 = arith.constant 0 : i32
    return %c0_i32, %c0_i32_0 : i32, i32
  }
  func.func @transform_5(%arg0: i32) -> (i32, i32) {
    %c0_i32 = arith.constant 0 : i32
    %c0_i32_0 = arith.constant 0 : i32
    %c0_i32_1 = arith.constant 0 : i32
    return %c0_i32, %c0_i32_0 : i32, i32
  }
  func.func @transform_6(%arg0: i32) -> (i32, i32) {
    %c0_i32 = arith.constant 0 : i32
    %c0_i32_0 = arith.constant 0 : i32
    %c0_i32_1 = arith.constant 0 : i32
    return %c0_i32, %c0_i32_0 : i32, i32
  }
  func.func @transform_7(%arg0: i32) -> (i32, i32) {
    %c0_i32 = arith.constant 0 : i32
    %c0_i32_0 = arith.constant 0 : i32
    %c0_i32_1 = arith.constant 0 : i32
    return %c0_i32, %c0_i32_0 : i32, i32
  }
  func.func @transform_8(%arg0: i32) -> (i32, i32) {
    %c0_i32 = arith.constant 0 : i32
    %c0_i32_0 = arith.constant 0 : i32
    %c0_i32_1 = arith.constant 0 : i32
    return %c0_i32, %c0_i32_0 : i32, i32
  }
  func.func @transform_9(%arg0: i32) -> (i32, i32) {
    %c0_i32 = arith.constant 0 : i32
    %c0_i32_0 = arith.constant 0 : i32
    return %arg0, %c0_i32 : i32, i32
  }
  func.func @transform_10(%arg0: i32) -> (i32, i32) {
    %c0_i32 = arith.constant 0 : i32
    %c0_i32_0 = arith.constant 0 : i32
    %c0_i32_1 = arith.constant 0 : i32
    return %c0_i32, %c0_i32_0 : i32, i32
  }
}

module attributes {stable_mosaic.version = 14 : i64} {
  func.func @_k3_body(%arg0: i32, %arg1: memref<2048x256xbf16, #tpu.memory_space<vmem>>, %arg2: memref<2x256xf32, #tpu.memory_space<vmem>>, %arg3: memref<1x256xf32, #tpu.memory_space<vmem>>, %arg4: memref<1x256xf32, #tpu.memory_space<vmem>>, %arg5: memref<256x128xf32, #tpu.memory_space<vmem>>, %arg6: memref<2048x128xf32, #tpu.memory_space<vmem>>) attributes {dimension_semantics = [#tpu.dimension_semantics<arbitrary>], iteration_bounds = array<i64: 8>, scalar_prefetch = 0 : i64, scratch_operands = 0 : i64, tpu.core_type = #tpu.core_type<tc>, window_params = [{transform_indices = @transform_0, window_bounds = array<i64: 2048, 256>}, {pipeline_mode = #tpu.pipeline_mode<synchronous>, transform_indices = @transform_1, window_bounds = array<i64: 2, 256>}, {pipeline_mode = #tpu.pipeline_mode<synchronous>, transform_indices = @transform_2, window_bounds = array<i64: 1, 256>}, {pipeline_mode = #tpu.pipeline_mode<synchronous>, transform_indices = @transform_3, window_bounds = array<i64: 1, 256>}, {pipeline_mode = #tpu.pipeline_mode<synchronous>, transform_indices = @transform_4, window_bounds = array<i64: 256, 128>}, {transform_indices = @transform_5, window_bounds = array<i64: 2048, 128>}]} {
    %get3A = arith.constant 0 : index
    %get3A_0 = arith.constant 0 : index
    %get3A_1 = vector.load %arg2[%get3A, %get3A_0] : memref<2x256xf32, #tpu.memory_space<vmem>>, vector<1x256xf32>
    %mul3A = arith.constant 6.10351563E-5 : f32
    %mul3A_2 = vector.broadcast %mul3A : f32 to vector<1x256xf32>
    %mul3A_3 = arith.mulf %get3A_1, %mul3A_2 : vector<1x256xf32>
    %get3A_4 = arith.constant 1 : index
    %get3A_5 = arith.constant 0 : index
    %get3A_6 = vector.load %arg2[%get3A_4, %get3A_5] : memref<2x256xf32, #tpu.memory_space<vmem>>, vector<1x256xf32>
    %mul3A_7 = arith.constant 6.10351563E-5 : f32
    %mul3A_8 = vector.broadcast %mul3A_7 : f32 to vector<1x256xf32>
    %mul3A_9 = arith.mulf %get3A_6, %mul3A_8 : vector<1x256xf32>
    %mul3A_10 = arith.mulf %mul3A_3, %mul3A_3 : vector<1x256xf32>
    %sub3A = arith.subf %mul3A_9, %mul3A_10 : vector<1x256xf32>
    %get3A_11 = arith.constant 0 : index
    %get3A_12 = arith.constant 0 : index
    %get3A_13 = vector.load %arg3[%get3A_11, %get3A_12] : memref<1x256xf32, #tpu.memory_space<vmem>>, vector<1x256xf32>
    %add3A = arith.constant 9.99999974E-6 : f32
    %add3A_14 = vector.broadcast %add3A : f32 to vector<1x256xf32>
    %add3A_15 = arith.addf %sub3A, %add3A_14 : vector<1x256xf32>
    %rsqrt3A = math.rsqrt %add3A_15 : vector<1x256xf32>
    %mul3A_16 = arith.mulf %get3A_13, %rsqrt3A : vector<1x256xf32>
    %get3A_17 = arith.constant 0 : index
    %get3A_18 = arith.constant 0 : index
    %get3A_19 = vector.load %arg4[%get3A_17, %get3A_18] : memref<1x256xf32, #tpu.memory_space<vmem>>, vector<1x256xf32>
    %mul3A_20 = arith.mulf %mul3A_3, %mul3A_16 : vector<1x256xf32>
    %sub3A_21 = arith.subf %get3A_19, %mul3A_20 : vector<1x256xf32>
    %get3A_22 = arith.constant 0 : index
    %get3A_23 = arith.constant 0 : index
    %get3A_24 = vector.load %arg1[%get3A_22, %get3A_23] : memref<2048x256xbf16, #tpu.memory_space<vmem>>, vector<2048x256xbf16>
    %convert_element_type3A = arith.extf %get3A_24 : vector<2048x256xbf16> to vector<2048x256xf32>
    %mul3A_25 = vector.broadcast %mul3A_16 : vector<1x256xf32> to vector<2048x256xf32>
    %mul3A_26 = arith.mulf %convert_element_type3A, %mul3A_25 : vector<2048x256xf32>
    %add3A_27 = vector.broadcast %sub3A_21 : vector<1x256xf32> to vector<2048x256xf32>
    %add3A_28 = arith.addf %mul3A_26, %add3A_27 : vector<2048x256xf32>
    %mul3A_29 = arith.constant 5.000000e-01 : f32
    %mul3A_30 = vector.broadcast %mul3A_29 : f32 to vector<2048x256xf32>
    %mul3A_31 = arith.mulf %mul3A_30, %add3A_28 : vector<2048x256xf32>
    %mul3A_32 = arith.constant 0.707106769 : f32
    %mul3A_33 = vector.broadcast %mul3A_32 : f32 to vector<2048x256xf32>
    %mul3A_34 = arith.mulf %add3A_28, %mul3A_33 : vector<2048x256xf32>
    %erf3A = math.erf %mul3A_34 : vector<2048x256xf32>
    %add3A_35 = arith.constant 1.000000e+00 : f32
    %add3A_36 = vector.broadcast %add3A_35 : f32 to vector<2048x256xf32>
    %add3A_37 = arith.addf %add3A_36, %erf3A : vector<2048x256xf32>
    %mul3A_38 = arith.mulf %mul3A_31, %add3A_37 : vector<2048x256xf32>
    %get3A_39 = arith.constant 0 : index
    %get3A_40 = arith.constant 0 : index
    %get3A_41 = vector.load %arg5[%get3A_39, %get3A_40] : memref<256x128xf32, #tpu.memory_space<vmem>>, vector<256x128xf32>
    %dot_general3A = arith.constant dense<0.000000e+00> : vector<2048x128xf32>
    %dot_general3A_42 = tpu.matmul %mul3A_38, %get3A_41, %dot_general3A {dimension_numbers = #tpu.dot_dimension_numbers<[1], [0], [0], [1], [0, 0, 1, 1], [], []>, transpose_lhs_hint = false} : vector<2048x256xf32>, vector<256x128xf32>, vector<2048x128xf32> -> vector<2048x128xf32>
    %swap3A = arith.constant 0 : index
    %swap3A_43 = arith.constant 0 : index
    %swap3A_44 = vector.load %arg6[%swap3A, %swap3A_43] : memref<2048x128xf32, #tpu.memory_space<vmem>>, vector<2048x128xf32>
    tpu.vector_store %arg6[%swap3A, %swap3A_43], %dot_general3A_42 {strides = array<i32>} : memref<2048x128xf32, #tpu.memory_space<vmem>>, vector<2048x128xf32>,
    return
  }
  func.func @transform_0(%arg0: i32) -> (i32, i32) {
    %c0_i32 = arith.constant 0 : i32
    %c0_i32_0 = arith.constant 0 : i32
    return %arg0, %c0_i32 : i32, i32
  }
  func.func @transform_1(%arg0: i32) -> (i32, i32) {
    %c0_i32 = arith.constant 0 : i32
    %c0_i32_0 = arith.constant 0 : i32
    %c0_i32_1 = arith.constant 0 : i32
    return %c0_i32, %c0_i32_0 : i32, i32
  }
  func.func @transform_2(%arg0: i32) -> (i32, i32) {
    %c0_i32 = arith.constant 0 : i32
    %c0_i32_0 = arith.constant 0 : i32
    %c0_i32_1 = arith.constant 0 : i32
    return %c0_i32, %c0_i32_0 : i32, i32
  }
  func.func @transform_3(%arg0: i32) -> (i32, i32) {
    %c0_i32 = arith.constant 0 : i32
    %c0_i32_0 = arith.constant 0 : i32
    %c0_i32_1 = arith.constant 0 : i32
    return %c0_i32, %c0_i32_0 : i32, i32
  }
  func.func @transform_4(%arg0: i32) -> (i32, i32) {
    %c0_i32 = arith.constant 0 : i32
    %c0_i32_0 = arith.constant 0 : i32
    %c0_i32_1 = arith.constant 0 : i32
    return %c0_i32, %c0_i32_0 : i32, i32
  }
  func.func @transform_5(%arg0: i32) -> (i32, i32) {
    %c0_i32 = arith.constant 0 : i32
    %c0_i32_0 = arith.constant 0 : i32
    return %arg0, %c0_i32 : i32, i32
  }
}

</mosaic_0001>

<sc_bundles>
// kernel: kernel.7.cloned.1.call-start
scs
__scs_entry_jumppad:
0x0: {  	(pc) =	sbr.rel $0x88, $3  }
0x1: {  	(tag) =	ssettag $0x0;
	lr =	simm.s32 $0x1  }
0x2: {  	[smem:$0x3F95] =	sst lr;
	_ =	strace $0xD0000000  }
0x3: {  	_ = 	snop  }
0x4: {  	_ = 	snop  }
0x5: {  	_ = 	snop  }
0x6: {  	_ = 	snop  }
0x7: {  	_ = 	snop  }
__scs_overlays_trampoline_lowered:
0x8: {  	[smem:$0x3FA4] =	sst s0  }
0x9: {  	[smem:$0x3FA5] =	sst s1  }
0xa: {  	[smem:$0x3FA6] =	sst s2  }
0xb: {  	[smem:$0x3FA7] =	sst s3  }
0xc: {  	[smem:$0x3FA8] =	sst s4  }
0xd: {  	[smem:$0x3FA9] =	sst s5  }
0xe: {  	[smem:$0x3FAA] =	sst s6  }
0xf: {  	[smem:$0x3FAB] =	sst s7  }
0x10: {  	[smem:$0x3FAC] =	sst s8  }
0x11: {  	[smem:$0x3FAD] =	sst s9;
	s0 =	simm.s32 @!p0 $0x0  }
0x12: {  	s1 =	sld [smem:$0x3F93];
	s0 =	simm.s32 @p0 $0x1  }
0x13: {  	[smem:$0x3FAE] =	sst s0;
	s0 =	simm.s32 @!p1 $0x0  }
0x14: {  	s2 =	sld [smem:$0x3F92];
	s0 =	simm.s32 @p1 $0x1  }
0x15: {  	[smem:$0x3FAF] =	sst s0;
	s0 =	simm.s32 @!p2 $0x0  }
0x16: {  	s3 =	sld [smem:$0x3FDB];
	s0 =	simm.s32 @p2 $0x1  }
0x17: {  	s4 =	simm.s32 $0x1BF5;
	[smem:$0x3FB1] =	sst s0  }
0x18: {  	s0 =	sld [smem:$0x3F94];
	_ =	swait.ge [sflag:s4], $0x0  }
0x19: {  	s7 =	sld [smem:$0x3F95]  }
0x1a: {  	s8 =	sadd.s32 $0xFFFFE003, lr  }
0x1b: {  	s9 =	sadd.s32 $0xFFFFFEF7, lr;
	s5 =	simm.s32 $0xFFFFFFFF;
	p2 =	slt.u32 s8, $0xFFFFF086  }
0x1c: {  	p1 =	slt.u32 s9, $0xF7A;
	s5 =	simm.s32 @!p2 $0x0  }
0x1d: {  	s5 =	simm.s32 @p1 $0x1;
	p0 =	seq.s32 s7, s2  }
0x1e: {  	s7 =	smul.u32 @!p0 $0xF7A, s2;
	p2 =	seq.s32 @!p0 s5, $0x0  }
0x1f: {  	s9 =	smul.u32 $0xF7A, s1;
	s8 =	simm.s32 @!p0 $0x1BF5;
	p2 =	por !p2, p0  }
0x20: {  	[sflag:s8] =	ssyncset.s32 @!p0 $0xFFFFF086;
	s6 =	sadd.s32 @!p0 s3, s7;
	s7 =	simm.s32 @!p0 $0x108  }
0x21: {  	s3 =	sadd.s32 s3, s9;
	s6 =	sadd.s32 @!p0 $0x88, s6;
	s7 =	simm.s32 @p2 $0x1082  }
0x22: {  	[simem:s7], [sflag:s8] =	dma.local @!p0 [hbm:s6], $0xF7A  }
0x23: {  	s9 =	sor.u32 $0xD0000000, s2;
	s6 =	simm.s32 $0x108;
	_ =	swait.ge @!p0 [sflag:s8], $0x0  }
0x24: {  	s3 =	sadd.s32 $0x88, s3;
	s6 =	simm.s32 @!p1 $0x1082;
	[sflag:s4] =	ssyncset.s32 $0xFFFFF086  }
0x25: {  	[simem:s6], [sflag:s4] =	dma.local [hbm:s3], $0xF7A  }
0x26: {  	[smem:$0x3F95] =	sst s1;
	(tag) =	ssettag s2;
	_ =	strace s9  }
0x27: {  	s1 =	sld [smem:$0x3FA5]  }
0x28: {  	s2 =	sld [smem:$0x3FA6]  }
0x29: {  	s4 =	sld [smem:$0x3FA8]  }
0x2a: {  	p0 =	seq.s32 s5, $0x0;
	s5 =	sld [smem:$0x3FA9]  }
0x2b: {  	s6 =	sld [smem:$0x3FAA]  }
0x2c: {  	s7 =	sld [smem:$0x3FAB]  }
0x2d: {  	s3 =	simm.s32 $0x108;
	s8 =	sld [smem:$0x3FAC]  }
0x2e: {  	s3 =	simm.s32 @!p0 $0x1082;
	s9 =	sld [smem:$0x3FAD]  }
0x2f: {  	lr =	sadd.s32 s0, s3;
	s0 =	sld [smem:$0x3FA4]  }
0x30: {  	s3 =	sld [smem:$0x3FA7]  }
0x31: {  	[smem:$0x3FB0] =	sst s10  }
0x32: {  	s10 =	sld [smem:$0x3FAE];
	_ =	sdelay $0x3  }
0x33: {  	p0 =	seq.s32 s10, $0x1;
	s10 =	sld [smem:$0x3FB0];
	_ =	sdelay $0x3  }
0x34: {  	[smem:$0x3FB0] =	sst s10  }
0x35: {  	s10 =	sld [smem:$0x3FAF];
	_ =	sdelay $0x3  }
0x36: {  	p1 =	seq.s32 s10, $0x1;
	s10 =	sld [smem:$0x3FB0];
	_ =	sdelay $0x3  }
0x37: {  	[smem:$0x3FB0] =	sst s10  }
0x38: {  	s10 =	sld [smem:$0x3FB1]  }
0x39: {  	_ = 	snop;
	(pc) =	sbr.ind lr, $3  }
0x3a: {  	_ = 	snop  }
0x3b: {  	_ = 	snop  }
0x3c: {  	p2 =	seq.s32 s10, $0x1;
	s10 =	sld [smem:$0x3FB0]  }
0x3d: {  	_ =	shalt  }
0x3e: {  	_ =	shalt  }
0x3f: {  	_ =	shalt  }
0x40: {  	_ =	shalt  }
0x41: {  	_ =	shalt  }
0x42: {  	_ =	shalt  }
0x43: {  	_ =	shalt  }
0x44: {  	_ =	shalt  }
0x45: {  	_ =	shalt  }
0x46: {  	_ =	shalt  }
0x47: {  	_ =	shalt  }
0x48: {  	_ =	shalt  }
0x49: {  	_ =	shalt  }
0x4a: {  	_ =	shalt  }
0x4b: {  	_ =	shalt  }
0x4c: {  	_ =	shalt  }
0x4d: {  	_ =	shalt  }
0x4e: {  	_ =	shalt  }
0x4f: {  	_ =	shalt  }
0x50: {  	_ =	shalt  }
0x51: {  	_ =	shalt  }
0x52: {  	_ =	shalt  }
0x53: {  	_ =	shalt  }
0x54: {  	_ =	shalt  }
0x55: {  	_ =	shalt  }
0x56: {  	_ =	shalt  }
0x57: {  	_ =	shalt  }
0x58: {  	_ =	shalt  }
0x59: {  	_ =	shalt  }
0x5a: {  	_ =	shalt  }
0x5b: {  	_ =	shalt  }
0x5c: {  	_ =	shalt  }
0x5d: {  	_ =	shalt  }
0x5e: {  	_ =	shalt  }
0x5f: {  	_ =	shalt  }
0x60: {  	_ =	shalt  }
0x61: {  	_ =	shalt  }
0x62: {  	_ =	shalt  }
0x63: {  	_ =	shalt  }
0x64: {  	_ =	shalt  }
0x65: {  	_ =	shalt  }
0x66: {  	_ =	shalt  }
0x67: {  	_ =	shalt  }
0x68: {  	_ =	shalt  }
0x69: {  	_ =	shalt  }
0x6a: {  	_ =	shalt  }
0x6b: {  	_ =	shalt  }
0x6c: {  	_ =	shalt  }
0x6d: {  	_ =	shalt  }
0x6e: {  	_ =	shalt  }
0x6f: {  	_ =	shalt  }
0x70: {  	_ =	shalt  }
0x71: {  	_ =	shalt  }
0x72: {  	_ =	shalt  }
0x73: {  	_ =	shalt  }
0x74: {  	_ =	shalt  }
0x75: {  	_ =	shalt  }
0x76: {  	_ =	shalt  }
0x77: {  	_ =	shalt  }
0x78: {  	_ =	shalt  }
0x79: {  	_ =	shalt  }
0x7a: {  	_ =	shalt  }
0x7b: {  	_ =	shalt  }
0x7c: {  	_ =	shalt  }
0x7d: {  	_ =	shalt  }
0x7e: {  	_ =	shalt  }
0x7f: {  	_ =	shalt  }
0x80: {  	_ =	shalt  }
0x81: {  	_ =	shalt  }
0x82: {  	_ =	shalt  }
0x83: {  	_ =	shalt  }
0x84: {  	_ =	shalt  }
0x85: {  	_ =	shalt  }
0x86: {  	_ =	shalt  }
0x87: {  	_ =	shalt  }
.Lfunc_end0:
.L_simem_size_0:
called_computation_lowered:
.L_overlay_start_0:
0x88: {  	s2 =	sld [smem:$0x3FD9]  }
0x89: {  	s3 =	sld [smem:$0x3FFE];
	_ =	sdelay $0x1  }
0x8a: {  	s1 =	srdreg.scid  }
0x8b: {  	s0 =	sand.u32 $0x1, s1  }
0x8c: {  	s16 =	sshll.u32 s0, $0xA;
	s2 =	sadd.s32 s3, s2  }
0x8d: {  	s2 =	sadd.s32 s2, s16  }
0x8e: {  	[smem:$0x3FBC] =	sst s2  }
0x8f: {  	_ = 	snop  }
0x90: {  	(tm) =	ssettm $0x1  }
0x91: {  	s17 =	sld [smem:$0x3FFB];
	_ =	sdelay $0x3  }
0x92: {  	_ =	strace s17  }
0x93: {  	s2 =	sld [smem:$0x3FFC];
	_ =	sdelay $0x3  }
0x94: {  	_ =	strace s2  }
0x95: {  	s2 =	sld [smem:$0x3FFD];
	_ =	sdelay $0x3  }
0x96: {  	_ =	strace s2  }
0x97: {  	_ =	strace $0x8FFFFFFF  }
0x98: {  	s18 =	sld [smem:$0x3FDB];
	_ =	sdelay $0x1  }
0x99: {  	s19 =	simm.s32 $_scs_section_size  }
0x9a: {  	s4 =	simm.s32 $_size__tile_overlayer_lowered;
	s5 =	simm.s32 $_tile_overlayer_lowered  }
0x9b: {  	s22 =	simm.s32 $0x1BFF;
	s21 =	sshll.u32 s5, $0x1;
	s2 =	sadd.s32 s19, s18  }
0x9c: {  	s6 =	simm.s32 $0x0;
	s20 =	sshll.u32 s4, $0x1;
	s4 =	sadd.s32 s21, s2  }
0x9d: {  	[timem:s6], [sflag:s22] =	dma.local [hbm:s4], s20  }
0x9e: {  	_ =	swait.ge [sflag:s22], s20  }
0x9f: {  	s3 =	ssub.s32 $0x0, s20;
	[sflag:s22] =	ssyncset.done $0x0  }
0xa0: {  	[sflag:s22] =	ssyncadd.s32 s3;
	_ =	sdelay $0x1  }
0xa1: {  	s23 =	simm.s32 $0x1B8B  }
0xa2: {  	_ =	swait.ge [sflag:s23], $0x1  }
0xa3: {  	[sflag:s23] =	ssyncset.done $0x0  }
0xa4: {  	s25 =	simm.s32 $0x1B8E;
	s24 =	sld [smem:$0x3FFE];
	[sflag:s23] =	ssyncadd.s32 $0xFFFFFFFF  }
0xa5: {  	s26 =	simm.s32 $execute0_lowered;
	[smem:$0x3FD2] =	sst s25  }
0xa6: {  	s4 =	sshll.u32 s26, $0x1;
	_ =	strace $0x80000046;
	[dreg:$0x1] =	wrdreg $0xFFFFFFFF  }
0xa7: {  	s28 =	simm.s32 $_size_execute0_lowered;
	s2 =	sadd.s32 s2, s4;
	[dreg:$0x0] =	wrdreg $0x0  }
0xa8: {  	s4 =	sshll.u32 s28, $0x1;
	[dreg:$0x2] =	wrdreg s2  }
0xa9: {  	[dreg:$0x3] =	wrdreg s4  }
0xaa: {  	[dreg:$0x4] =	wrdreg $0xC0  }
0xab: {  	_ =	task [dreg:s6], $0x5FFFF  }
0xac: {  	[dreg:$0x1] =	wrdreg $0xFFFFFFFF  }
0xad: {  	[dreg:$0x0] =	wrdreg $0x60  }
0xae: {  	[dreg:$0x2] =	wrdreg s24  }
0xaf: {  	[dreg:$0x3] =	wrdreg $0x9  }
0xb0: {  	_ =	task.clear_ibuf [dreg:s6], $0x4FFFF;
	_ =	strace $0x90000046  }
0xb1: {  	s29 =	simm.s32 $0x9;
	_ =	strace $0x80000048  }
0xb2: {  	_ =	swait.ge [sflag:s29], $0x1  }
0xb3: {  	[sflag:s29] =	ssyncadd.s32 $0xFFFFFFFF  }
0xb4: {  	_ =	strace $0x90000048  }
0xb5: {  	_ =	sfence  }
0xb6: {  	s30 =	sld [smem:$0x0];
	_ =	sdelay $0x2  }
0xb7: {  	s31 =	sshll.u32 s1, $0xD;
	s1 =	sshrl.u32 s1, $0x2  }
0xb8: {  	s3 =	sand.u32 $0x4000, s31;
	s1 =	sadd.s32 s1, s30  }
0xb9: {  	s0 =	sor.u32 s3, s0;
	s1 =	sshll.u32 s1, $0x11  }
0xba: {  	s0 =	sor.u32 s1, s0  }
0xbb: {  	s0 =	sadd.s32 $0x8F2B, s0  }
0xbc: {  	[sflag:s0] =	ssyncadd.remote.s32 $0x1  }
0xbd: {  	_ =	sfence.sel $0xFFFF  }
0xbe: {  	[dreg:$0x0] =	wrdreg $0xFFFFFFFF;
	(pc) =	sbr.abs _section_cstart, $3  }
0xbf: {  	[dreg:$0x1] =	wrdreg $0xFFFFFFFF  }
0xc0: {  	_ =	task.clear_ibuf [dreg:s6], $0x2FFFF;
	_ =	strace $0x9FFFFFFF  }
0xc1: {  	(tm) =	ssettm $0x7FFFFFFF  }
tec
execute0_lowered:
.L_overlay_start_1:
0x0: {  	(tag) =	ssettag $0x1  }
0x1: {  	s0 =	srdreg.scid  }
0x2: {  	s14 =	rddreg [dreg:$0x0];
	s15 =	sand.u32 $0x1, s0  }
0x3: {  	s1 =	stileid.u32;
	s2 =	simm.s32 $0x0;
	s3 =	sshll.u32 s15, $0x6  }
0x4: {  	s0 =	rddreg [dreg:$0x1];
	s4 =	sshll.u32 s1, $0x7;
	s3 =	sadd.s32 s3, s14  }
0x5: {  	[smem:$0x7FF] =	sst s2;
	s3 =	sadd.s32 s4, s3  }
0x6: {  	_ =	strace $0x80000047;
	s4 =	sadd.s32 $0x2A00, s3;
	s3 =	simm.s32 $0x2  }
0x7: {  	[tilespmem:s2], [sflag:$0x2] =	stream.linear.gather [hbm4b:s4+s2], $0x200, $0x38;
	[tilespmem:$0x10200] =	vst v63  }
0x8: {  	_ =	swait.ge [sflag:s3], $0x200  }
0x9: {  	s6 =	simm.s32 $0x80;
	[sflag:s3] =	ssyncset.done $0x0  }
0xa: {  	s7 =	simm.s32 $0x200;
	s5 =	sadd.s32 $0x3200, s14;
	[sflag:s3] =	ssyncadd.s32 $0xFFFFFE00  }
0xb: {  	[tilespmem:s7], [sflag:$0x1] =	stream.indirect.gather [hbm4b:s5+s6], $0x80, s2, s6, $0xb8;
	[tilespmem:$0x10200] =	vst v63  }
0xc: {  	s8 =	simm.s32 $0x4200  }
0xd: {  	[tilespmem:s8], [sflag:$0x1] =	stream.indirect.gather [hbm4b:s5+s6], $0x80, s6, s6, $0xb8;
	[tilespmem:$0x10200] =	vst v63  }
0xe: {  	s9 =	simm.s32 $0x100;
	s10 =	simm.s32 $0x8200  }
0xf: {  	[tilespmem:s10], [sflag:$0x1] =	stream.indirect.gather [hbm4b:s5+s6], $0x80, s9, s6, $0xb8;
	[tilespmem:$0x10200] =	vst v63  }
0x10: {  	s11 =	simm.s32 $0x180;
	s12 =	simm.s32 $0xC200;
	s13 =	simm.s32 $0x1  }
0x11: {  	[tilespmem:s12], [sflag:$0x1] =	stream.indirect.gather [hbm4b:s5+s6], $0x80, s11, s6, $0xb8;
	[tilespmem:$0x10200] =	vst v63  }
0x12: {  	_ =	swait.ge [sflag:s13], $0x4000  }
0x13: {  	[sflag:s13] =	ssyncset.done $0x0  }
0x14: {  	[sflag:s13] =	ssyncadd.s32 $0xFFFFC000  }
0x15: {  	_ =	swait.ge [sflag:s13], $0x4000  }
0x16: {  	[sflag:s13] =	ssyncset.done $0x0  }
0x17: {  	s16 =	sshll.u32 s15, $0xD;
	s15 =	ssub.s32 $0x2, s15;
	[sflag:s13] =	ssyncadd.s32 $0xFFFFC000  }
0x18: {  	s31 =	sshrl.u32 s15, $0x1;
	_ =	swait.ge [sflag:s13], $0x4000  }
0x19: {  	s15 =	ssub.s32 s15, s31;
	[sflag:s13] =	ssyncset.done $0x0  }
0x1a: {  	s17 =	sshll.u32 s1, $0xE;
	s15 =	smax.u32 s15, $0x1;
	[sflag:s13] =	ssyncadd.s32 $0xFFFFC000  }
0x1b: {  	s14 =	sadd.s32 s16, s14;
	p0 =	sne.s32 s15, $0x1;
	_ =	swait.ge [sflag:s13], $0x4000  }
.Ltmp0:
0x1c: {  	s14 =	sadd.s32 s17, s14;
	[sflag:s13] =	ssyncset.done $0x0;
	(pc) =	sbr.rel @!p0 .LBB2_2-.Ltmp0, $4  }
0x1d: {  	s14 =	sadd.s32 $0x3E3200, s14;
	[sflag:s13] =	ssyncadd.s32 $0xFFFFC000  }
0x1e: {  	[hbm4b:s14+s2] =	stream.linear.scatter [tilespmem:s7], [sflag:$0x2], $0x10000, $0x38;
	[tilespmem:$0x10200] =	vst v63  }
0x1f: {  	_ =	swait.ge [sflag:s3], $0x10000  }
0x20: {  	s15 =	sadd.s32 $0xFFFFFFFF, s15;
	[sflag:s3] =	ssyncset.done $0x0  }
.LBB2_1:
0x21: {  	p0 =	sne.s32 s15, $0x1;
	s15 =	sadd.s32 $0xFFFFFFFF, s15;
	[sflag:s3] =	ssyncadd.s32 $0xFFFF0000  }
0x22: {  	[tilespmem:s2], [sflag:$0x2] =	stream.linear.gather [hbm4b:s4+s2], $0x200, $0x38;
	[tilespmem:$0x10200] =	vst v63  }
0x23: {  	_ =	swait.ge [sflag:s3], $0x200  }
0x24: {  	[sflag:s3] =	ssyncset.done $0x0  }
0x25: {  	[sflag:s3] =	ssyncadd.s32 $0xFFFFFE00  }
0x26: {  	[tilespmem:s7], [sflag:$0x1] =	stream.indirect.gather [hbm4b:s5+s6], $0x80, s2, s6, $0xb8;
	[tilespmem:$0x10200] =	vst v63  }
0x27: {  	_ = 	snop  }
0x28: {  	[tilespmem:s8], [sflag:$0x1] =	stream.indirect.gather [hbm4b:s5+s6], $0x80, s6, s6, $0xb8;
	[tilespmem:$0x10200] =	vst v63  }
0x29: {  	_ = 	snop  }
0x2a: {  	[tilespmem:s10], [sflag:$0x1] =	stream.indirect.gather [hbm4b:s5+s6], $0x80, s9, s6, $0xb8;
	[tilespmem:$0x10200] =	vst v63  }
0x2b: {  	_ = 	snop  }
0x2c: {  	[tilespmem:s12], [sflag:$0x1] =	stream.indirect.gather [hbm4b:s5+s6], $0x80, s11, s6, $0xb8;
	[tilespmem:$0x10200] =	vst v63  }
0x2d: {  	_ =	swait.ge [sflag:s13], $0x4000  }
0x2e: {  	[sflag:s13] =	ssyncset.done $0x0  }
0x2f: {  	[sflag:s13] =	ssyncadd.s32 $0xFFFFC000  }
0x30: {  	_ =	swait.ge [sflag:s13], $0x4000  }
0x31: {  	[sflag:s13] =	ssyncset.done $0x0  }
0x32: {  	[sflag:s13] =	ssyncadd.s32 $0xFFFFC000  }
0x33: {  	_ =	swait.ge [sflag:s13], $0x4000  }
0x34: {  	[sflag:s13] =	ssyncset.done $0x0  }
0x35: {  	[sflag:s13] =	ssyncadd.s32 $0xFFFFC000  }
0x36: {  	_ =	swait.ge [sflag:s13], $0x4000  }
.Ltmp1:
0x37: {  	[sflag:s13] =	ssyncset.done $0x0;
	(pc) =	sbr.rel @p0 .LBB2_1-.Ltmp1, $4  }
0x38: {  	[sflag:s13] =	ssyncadd.s32 $0xFFFFC000  }
0x39: {  	[hbm4b:s14+s2] =	stream.linear.scatter [tilespmem:s7], [sflag:$0x2], $0x10000, $0x38;
	[tilespmem:$0x10200] =	vst v63  }
0x3a: {  	_ =	swait.ge [sflag:s3], $0x10000  }
0x3b: {  	[sflag:s3] =	ssyncset.done $0x0  }
.LBB2_2:
0x3c: {  	[sflag:s3] =	ssyncadd.s32 $0xFFFF0000  }
0x3d: {  	_ =	sfence.sel $0x180000  }
0x3e: {  	[bflag:$0x0] =	sbarrier.arrive $0xFFFF  }
0x3f: {  	p0 =	sne.s32 s1, $0x0;
	_ =	strace $0x90000047  }
0x40: {  	s0 =	sadd.s32 @!p0 $0x100000, s0;
	[bflag:$0x2] =	sbarrier.arrive $0xFFFF  }
0x41: {  	[sflag:s0] =	ssyncadd.tile.s32 @!p0 $0x1;
	_ =	shalt  }
.Lfunc_end2:
_tile_overlayer_lowered:
.L_overlay_start_2:
0x42: {  	(tag) =	ssettag $0x2  }
0x43: {  	s0 =	rddreg [dreg:$0x0];
	s2 =	stileid.u32  }
0x44: {  	s1 =	rddreg [dreg:$0x1];
	p0 =	sne.s32 s2, $0x0  }
0x45: {  	s3 =	rddreg [dreg:$0x2];
	[bflag:$0x3] =	sbarrier.arrive $0xFFFF;
	s2 =	simm.s32 @!p0 $0x1C02  }
0x46: {  	[timem:s3], [sflag:s2] =	dma.local @!p0 [hbm:s0], s1  }
0x47: {  	s0 =	simm.s32 @!p0 $0x2  }
0x48: {  	_ =	swait.ge @!p0 [sflag:s0], s1  }
0x49: {  	s1 =	ssub.s32 @!p0 $0x0, s1;
	[sflag:s0] =	ssyncset.done @!p0 $0x0  }
0x4a: {  	[sflag:s0] =	ssyncadd.s32 @!p0 s1  }
0x4b: {  	[bflag:$0x3] =	sbarrier.arrive $0xFFFF  }
0x4c: {  	_ =	shalt  }

</sc_bundles>
